<compile_context>
chip_gen: v7x
topology: tpu7x:2x2x1
jax: 0.10.2.dev20260603
libtpu: 0.0.44.dev20260713+nightly
codegen_flags: <defaults>
</compile_context>

<pallas_src>
import dataclasses
import functools

import jax
import jax.numpy as jnp
from jax import lax
from jax.experimental import pallas as pl
from jax.experimental.pallas import tpu as pltpu
from jax.experimental.pallas import tpu_sc as plsc

_NUM_EXPERTS = 64
_TOP_K = 8
_ALPHA = 0.01

_SC_CORES = 2
_SC_SUBCORES = 16
_LANES = 16
_NW = _SC_CORES * _SC_SUBCORES


def _sc_hist_body(idx_hbm, out_hbm, idx_v, hist_v, cnt_v, sem):
    n = idx_v.shape[0]
    wid = lax.axis_index("s") * _SC_CORES + lax.axis_index("c")
    cp = pltpu.make_async_copy(idx_hbm.at[wid], idx_v, sem)
    cp.start()

    zeros = jnp.zeros((_LANES,), jnp.int32)

    @pl.loop(0, _LANES * _NUM_EXPERTS, step=_LANES)
    def _(j):
        hist_v[pl.ds(j, _LANES)] = zeros

    cp.wait()

    lane_base = lax.iota(jnp.int32, _LANES) * _NUM_EXPERTS
    ones = jnp.ones((_LANES,), jnp.int32)

    @pl.loop(0, n, step=_LANES)
    def _(i):
        idx = idx_v[pl.ds(i, _LANES)]
        plsc.addupdate_scatter(hist_v, [lane_base + idx], ones)

    for j in range(0, _NUM_EXPERTS, _LANES):
        acc = hist_v[pl.ds(j, _LANES)]
        for r in range(1, _LANES):
            acc = acc + hist_v[pl.ds(r * _NUM_EXPERTS + j, _LANES)]
        cnt_v[pl.ds(j, _LANES)] = acc

    pltpu.sync_copy(cnt_v, out_hbm.at[wid])


def _sc_bincount(idx_rows):
    n = idx_rows.shape[1]
    mesh = plsc.VectorSubcoreMesh(
        core_axis_name="c", subcore_axis_name="s",
        num_cores=_SC_CORES, num_subcores=_SC_SUBCORES,
    )
    cp = pltpu.CompilerParams()
    if "needs_layout_passes" in pltpu.CompilerParams.__dataclass_fields__:
        cp = dataclasses.replace(cp, needs_layout_passes=False)
    kern = pl.kernel(
        _sc_hist_body,
        out_type=jax.ShapeDtypeStruct((_NW, _NUM_EXPERTS), jnp.int32),
        mesh=mesh,
        compiler_params=cp,
        scratch_types=[
            pltpu.VMEM((n,), jnp.int32),
            pltpu.VMEM((_LANES * _NUM_EXPERTS,), jnp.int32),
            pltpu.VMEM((_NUM_EXPERTS,), jnp.int32),
            pltpu.SemaphoreType.DMA,
        ],
    )
    return kern(idx_rows)


def _tc_loss_body(scale, cnt_ref, x_ref, o_ref, acc_ref):
    nb = pl.num_programs(0)
    nj = pl.num_programs(1)
    b = pl.program_id(0)
    j = pl.program_id(1)
    step = b * nj + j

    x = x_ref[0]
    m = jnp.max(x, axis=0, keepdims=True)
    e = jnp.exp(x - m)
    s = jnp.sum(e, axis=0, keepdims=True)
    p = e * (1.0 / s)
    part = p[:, 0:128]
    for c in range(1, p.shape[1] // 128):
        part = part + p[:, c * 128:(c + 1) * 128]

    @pl.when(step == 0)
    def _():
        acc_ref[...] = part

    @pl.when(step != 0)
    def _():
        acc_ref[...] = acc_ref[...] + part

    @pl.when(step == nb * nj - 1)
    def _():
        cvec = jnp.sum(cnt_ref[...].astype(jnp.float32), axis=0,
                       keepdims=True)
        r = jax.lax.dot_general(
            cvec, acc_ref[...],
            dimension_numbers=(((1,), (0,)), ((), ())),
            preferred_element_type=jnp.float32,
        )
        o_ref[...] = jnp.sum(r, axis=1, keepdims=True) * scale


def _tc_loss(xt, partial_counts, seq_blk, scale):
    batch, ne, seq = xt.shape
    grid = (batch, seq // seq_blk)
    out = pl.pallas_call(
        functools.partial(_tc_loss_body, scale),
        grid=grid,
        in_specs=[
            pl.BlockSpec((_NW, ne), lambda b, j: (0, 0)),
            pl.BlockSpec((1, ne, seq_blk), lambda b, j: (b, 0, j)),
        ],
        out_specs=pl.BlockSpec((1, 1), lambda b, j: (0, 0)),
        out_shape=jax.ShapeDtypeStruct((1, 1), jnp.float32),
        scratch_shapes=[pltpu.VMEM((ne, 128), jnp.float32)],
        compiler_params=pltpu.CompilerParams(
            dimension_semantics=("arbitrary", "arbitrary"),
        ),
    )(partial_counts, xt)
    return out


@jax.jit
def kernel(router_logits, expert_indices):
    batch, seq, _ = router_logits.shape
    num_tokens = batch * seq
    xt = jnp.transpose(router_logits, (0, 2, 1))
    idx_rows = jnp.transpose(expert_indices, (0, 2, 1)).reshape(_NW, -1)

    partial_counts = _sc_bincount(idx_rows)
    scale = _ALPHA * _NUM_EXPERTS * _NUM_EXPERTS / (
        _TOP_K * float(num_tokens) * float(num_tokens))
    out = _tc_loss(xt, partial_counts, seq_blk=2048, scale=scale)
    return out.reshape(())

# --- scband reference (transcript-rebuilt; emitter-appended) ---
"""Pipeline reference for scband-load-balance-loss-6219112645448 (READ-ONLY COPY).

The authoritative reference and input builder live on the scoring server;
editing this copy changes nothing except your own understanding.
"""

import jax, jax.numpy as jnp
import numpy as np

NUM_EXPERTS = 64
TOP_K = 8
ALPHA = 0.01
BATCH = 4
SEQ = 8192


def setup_inputs(seed: int = 0) -> dict:
    key = jax.random.key(seed)
    k1, k2 = jax.random.split(key)
    router_logits = jax.random.normal(k1, (BATCH, SEQ, NUM_EXPERTS), dtype=jnp.float32)
    expert_indices = jax.random.randint(k2, (BATCH, SEQ, TOP_K), 0, NUM_EXPERTS, dtype=jnp.int32)
    return {"router_logits": router_logits, "expert_indices": expert_indices}


def reference(router_logits, expert_indices):
    batch_size, seq_len, _ = router_logits.shape
    num_tokens = batch_size * seq_len
    expert_indices_flat = expert_indices.reshape(-1)
    expert_mask = jax.nn.one_hot(expert_indices_flat, NUM_EXPERTS, dtype=jnp.float32)
    expert_counts = expert_mask.sum(axis=0)
    f_i = expert_counts / (num_tokens * TOP_K / NUM_EXPERTS)
    router_probs = jax.nn.softmax(router_logits, axis=-1)
    P_i = router_probs.mean(axis=(0, 1))
    loss = ALPHA * (f_i * P_i).sum() * NUM_EXPERTS
    return loss

if __name__ == "__main__":
    import jax
    _d = setup_inputs()
    print(jax.jit(kernel)(*tuple(_d.values())))

</pallas_src>

<mosaic_0001>
#map = affine_map<(d0, d1) -> (0, 0)>
module attributes {stable_mosaic.version = 14 : i64} {
  func.func @_sc_hist_body(%arg0: i32, %arg1: i32, %arg2: memref<32x8192xi32, #tpu.memory_space<hbm>>, %arg3: memref<32x64xi32, #tpu.memory_space<hbm>>, %arg4: memref<8192xi32, #tpu.memory_space<vmem>>, %arg5: memref<1024xi32, #tpu.memory_space<vmem>>, %arg6: memref<64xi32, #tpu.memory_space<vmem>>, %arg7: memref<!tpu.dma_semaphore, #tpu.memory_space<semaphore_mem>>) attributes {dimension_semantics = [#tpu.dimension_semantics<core_parallel>, #tpu.dimension_semantics<subcore_parallel>], iteration_bounds = array<i64: 2, 16>, scalar_prefetch = 0 : i64, scratch_operands = 4 : i64, tpu.core_type = #tpu.core_type<sc_vector_subcore>, window_params = [{transform_indices = #map}, {transform_indices = #map}]} {
    %mul3A = arith.constant 2 : i32
    %mul3A_0 = arith.muli %arg1, %mul3A : i32
    %add3A = arith.addi %mul3A_0, %arg0 : i32
    %dma_start3A = arith.constant 0 : i32
    %dma_start3A_1 = tpu.memref_slice %arg2[%add3A, %dma_start3A] : memref<32x8192xi32, #tpu.memory_space<hbm>> -> memref<1x8192xi32, #tpu.memory_space<hbm>>
    %dma_start3A_2 = tpu.memref_squeeze %dma_start3A_1 : memref<1x8192xi32, #tpu.memory_space<hbm>> -> memref<8192xi32, #tpu.memory_space<hbm>>
    %dma_start3A_3 = arith.constant 0 : i32
    %dma_start3A_4 = tpu.memref_slice %arg2[%add3A, %dma_start3A_3] : memref<32x8192xi32, #tpu.memory_space<hbm>> -> memref<1x8192xi32, #tpu.memory_space<hbm>>
    %dma_start3A_5 = tpu.memref_squeeze %dma_start3A_4 : memref<1x8192xi32, #tpu.memory_space<hbm>> -> memref<8192xi32, #tpu.memory_space<hbm>>
    tpu.enqueue_dma source(%dma_start3A_5 : memref<8192xi32, #tpu.memory_space<hbm>>) target(%arg4 : memref<8192xi32, #tpu.memory_space<vmem>>) target_semaphore(%arg7 : memref<!tpu.dma_semaphore, #tpu.memory_space<semaphore_mem>>)
    %broadcast_in_dim3A = arith.constant 0 : i32
    %broadcast_in_dim3A_6 = vector.broadcast %broadcast_in_dim3A : i32 to vector<16xi32>
    %scan3A = arith.constant 0 : i32
    %scan3A_7 = arith.constant 64 : i32
    %scan3A_8 = arith.addi %scan3A, %scan3A_7 : i32
    %scan3A_9 = arith.constant 1 : i32
    scf.for %scan3A_220 = %scan3A to %scan3A_8 step %scan3A_9  : i32 {
      %mul3A_221 = arith.constant 16 : i32
      %mul3A_222 = arith.muli %scan3A_220, %mul3A_221 : i32
      %add3A_223 = arith.constant 0 : i32
      %add3A_224 = arith.addi %add3A_223, %mul3A_222 : i32
      %swap3A_225 = arith.index_cast %add3A_224 : i32 to index
      %swap3A_226 = tpu.vector_load %arg5[%swap3A_225] {strides = array<i32>} : memref<1024xi32, #tpu.memory_space<vmem>>, vector<16xi32>,
      tpu.vector_store %arg5[%swap3A_225], %broadcast_in_dim3A_6 {strides = array<i32>} : memref<1024xi32, #tpu.memory_space<vmem>>, vector<16xi32>,
    }
    %scan3A_10 = arith.constant 64 : i32
    %dma_wait3A = arith.constant 0 : i32
    %dma_wait3A_11 = tpu.memref_slice %arg2[%add3A, %dma_wait3A] : memref<32x8192xi32, #tpu.memory_space<hbm>> -> memref<1x8192xi32, #tpu.memory_space<hbm>>
    %dma_wait3A_12 = tpu.memref_squeeze %dma_wait3A_11 : memref<1x8192xi32, #tpu.memory_space<hbm>> -> memref<8192xi32, #tpu.memory_space<hbm>>
    %dma_wait3A_13 = arith.constant 0 : i32
    %dma_wait3A_14 = tpu.memref_slice %arg2[%add3A, %dma_wait3A_13] : memref<32x8192xi32, #tpu.memory_space<hbm>> -> memref<1x8192xi32, #tpu.memory_space<hbm>>
    %dma_wait3A_15 = tpu.memref_squeeze %dma_wait3A_14 : memref<1x8192xi32, #tpu.memory_space<hbm>> -> memref<8192xi32, #tpu.memory_space<hbm>>
    tpu.wait_dma2 semaphore(%arg7 : memref<!tpu.dma_semaphore, #tpu.memory_space<semaphore_mem>>) src(%dma_wait3A_15 : memref<8192xi32, #tpu.memory_space<hbm>>) dst(%arg4 : memref<8192xi32, #tpu.memory_space<vmem>>)
    %iota3A = tpu.iota {dimensions = array<i32: 0>} : vector<16xi32>
    %mul3A_16 = arith.constant 64 : i32
    %mul3A_17 = vector.broadcast %mul3A_16 : i32 to vector<16xi32>
    %mul3A_18 = arith.muli %iota3A, %mul3A_17 : vector<16xi32>
    %broadcast_in_dim3A_19 = arith.constant 1 : i32
    %broadcast_in_dim3A_20 = vector.broadcast %broadcast_in_dim3A_19 : i32 to vector<16xi32>
    %scan3A_21 = arith.constant 0 : i32
    %scan3A_22 = arith.constant 512 : i32
    %scan3A_23 = arith.addi %scan3A_21, %scan3A_22 : i32
    %scan3A_24 = arith.constant 1 : i32
    scf.for %scan3A_220 = %scan3A_21 to %scan3A_23 step %scan3A_24  : i32 {
      %mul3A_221 = arith.constant 16 : i32
      %mul3A_222 = arith.muli %scan3A_220, %mul3A_221 : i32
      %add3A_223 = arith.constant 0 : i32
      %add3A_224 = arith.addi %add3A_223, %mul3A_222 : i32
      %get3A_225 = arith.index_cast %add3A_224 : i32 to index
      %get3A_226 = tpu.vector_load %arg4[%get3A_225] {strides = array<i32>} : memref<8192xi32, #tpu.memory_space<vmem>>, vector<16xi32>,
      %add3A_227 = arith.addi %mul3A_18, %get3A_226 : vector<16xi32>
      tpu.vector_store_idx %arg5[%add3A_227], %broadcast_in_dim3A_20 {add = true} : memref<1024xi32, #tpu.memory_space<vmem>>[vector<16xi32>], vector<16xi32>,
    }
    %scan3A_25 = arith.constant 512 : i32
    %get3A = arith.constant 0 : index
    %get3A_26 = tpu.vector_load %arg5[%get3A] {strides = array<i32>} : memref<1024xi32, #tpu.memory_space<vmem>>, vector<16xi32>,
    %get3A_27 = arith.constant 64 : index
    %get3A_28 = tpu.vector_load %arg5[%get3A_27] {strides = array<i32>} : memref<1024xi32, #tpu.memory_space<vmem>>, vector<16xi32>,
    %add3A_29 = arith.addi %get3A_26, %get3A_28 : vector<16xi32>
    %get3A_30 = arith.constant 128 : index
    %get3A_31 = tpu.vector_load %arg5[%get3A_30] {strides = array<i32>} : memref<1024xi32, #tpu.memory_space<vmem>>, vector<16xi32>,
    %add3A_32 = arith.addi %add3A_29, %get3A_31 : vector<16xi32>
    %get3A_33 = arith.constant 192 : index
    %get3A_34 = tpu.vector_load %arg5[%get3A_33] {strides = array<i32>} : memref<1024xi32, #tpu.memory_space<vmem>>, vector<16xi32>,
    %add3A_35 = arith.addi %add3A_32, %get3A_34 : vector<16xi32>
    %get3A_36 = arith.constant 256 : index
    %get3A_37 = tpu.vector_load %arg5[%get3A_36] {strides = array<i32>} : memref<1024xi32, #tpu.memory_space<vmem>>, vector<16xi32>,
    %add3A_38 = arith.addi %add3A_35, %get3A_37 : vector<16xi32>
    %get3A_39 = arith.constant 320 : index
    %get3A_40 = tpu.vector_load %arg5[%get3A_39] {strides = array<i32>} : memref<1024xi32, #tpu.memory_space<vmem>>, vector<16xi32>,
    %add3A_41 = arith.addi %add3A_38, %get3A_40 : vector<16xi32>
    %get3A_42 = arith.constant 384 : index
    %get3A_43 = tpu.vector_load %arg5[%get3A_42] {strides = array<i32>} : memref<1024xi32, #tpu.memory_space<vmem>>, vector<16xi32>,
    %add3A_44 = arith.addi %add3A_41, %get3A_43 : vector<16xi32>
    %get3A_45 = arith.constant 448 : index
    %get3A_46 = tpu.vector_load %arg5[%get3A_45] {strides = array<i32>} : memref<1024xi32, #tpu.memory_space<vmem>>, vector<16xi32>,
    %add3A_47 = arith.addi %add3A_44, %get3A_46 : vector<16xi32>
    %get3A_48 = arith.constant 512 : index
    %get3A_49 = tpu.vector_load %arg5[%get3A_48] {strides = array<i32>} : memref<1024xi32, #tpu.memory_space<vmem>>, vector<16xi32>,
    %add3A_50 = arith.addi %add3A_47, %get3A_49 : vector<16xi32>
    %get3A_51 = arith.constant 576 : index
    %get3A_52 = tpu.vector_load %arg5[%get3A_51] {strides = array<i32>} : memref<1024xi32, #tpu.memory_space<vmem>>, vector<16xi32>,
    %add3A_53 = arith.addi %add3A_50, %get3A_52 : vector<16xi32>
    %get3A_54 = arith.constant 640 : index
    %get3A_55 = tpu.vector_load %arg5[%get3A_54] {strides = array<i32>} : memref<1024xi32, #tpu.memory_space<vmem>>, vector<16xi32>,
    %add3A_56 = arith.addi %add3A_53, %get3A_55 : vector<16xi32>
    %get3A_57 = arith.constant 704 : index
    %get3A_58 = tpu.vector_load %arg5[%get3A_57] {strides = array<i32>} : memref<1024xi32, #tpu.memory_space<vmem>>, vector<16xi32>,
    %add3A_59 = arith.addi %add3A_56, %get3A_58 : vector<16xi32>
    %get3A_60 = arith.constant 768 : index
    %get3A_61 = tpu.vector_load %arg5[%get3A_60] {strides = array<i32>} : memref<1024xi32, #tpu.memory_space<vmem>>, vector<16xi32>,
    %add3A_62 = arith.addi %add3A_59, %get3A_61 : vector<16xi32>
    %get3A_63 = arith.constant 832 : index
    %get3A_64 = tpu.vector_load %arg5[%get3A_63] {strides = array<i32>} : memref<1024xi32, #tpu.memory_space<vmem>>, vector<16xi32>,
    %add3A_65 = arith.addi %add3A_62, %get3A_64 : vector<16xi32>
    %get3A_66 = arith.constant 896 : index
    %get3A_67 = tpu.vector_load %arg5[%get3A_66] {strides = array<i32>} : memref<1024xi32, #tpu.memory_space<vmem>>, vector<16xi32>,
    %add3A_68 = arith.addi %add3A_65, %get3A_67 : vector<16xi32>
    %get3A_69 = arith.constant 960 : index
    %get3A_70 = tpu.vector_load %arg5[%get3A_69] {strides = array<i32>} : memref<1024xi32, #tpu.memory_space<vmem>>, vector<16xi32>,
    %add3A_71 = arith.addi %add3A_68, %get3A_70 : vector<16xi32>
    %swap3A = arith.constant 0 : index
    %swap3A_72 = tpu.vector_load %arg6[%swap3A] {strides = array<i32>} : memref<64xi32, #tpu.memory_space<vmem>>, vector<16xi32>,
    tpu.vector_store %arg6[%swap3A], %add3A_71 {strides = array<i32>} : memref<64xi32, #tpu.memory_space<vmem>>, vector<16xi32>,
    %get3A_73 = arith.constant 16 : index
    %get3A_74 = tpu.vector_load %arg5[%get3A_73] {strides = array<i32>} : memref<1024xi32, #tpu.memory_space<vmem>>, vector<16xi32>,
    %get3A_75 = arith.constant 80 : index
    %get3A_76 = tpu.vector_load %arg5[%get3A_75] {strides = array<i32>} : memref<1024xi32, #tpu.memory_space<vmem>>, vector<16xi32>,
    %add3A_77 = arith.addi %get3A_74, %get3A_76 : vector<16xi32>
    %get3A_78 = arith.constant 144 : index
    %get3A_79 = tpu.vector_load %arg5[%get3A_78] {strides = array<i32>} : memref<1024xi32, #tpu.memory_space<vmem>>, vector<16xi32>,
    %add3A_80 = arith.addi %add3A_77, %get3A_79 : vector<16xi32>
    %get3A_81 = arith.constant 208 : index
    %get3A_82 = tpu.vector_load %arg5[%get3A_81] {strides = array<i32>} : memref<1024xi32, #tpu.memory_space<vmem>>, vector<16xi32>,
    %add3A_83 = arith.addi %add3A_80, %get3A_82 : vector<16xi32>
    %get3A_84 = arith.constant 272 : index
    %get3A_85 = tpu.vector_load %arg5[%get3A_84] {strides = array<i32>} : memref<1024xi32, #tpu.memory_space<vmem>>, vector<16xi32>,
    %add3A_86 = arith.addi %add3A_83, %get3A_85 : vector<16xi32>
    %get3A_87 = arith.constant 336 : index
    %get3A_88 = tpu.vector_load %arg5[%get3A_87] {strides = array<i32>} : memref<1024xi32, #tpu.memory_space<vmem>>, vector<16xi32>,
    %add3A_89 = arith.addi %add3A_86, %get3A_88 : vector<16xi32>
    %get3A_90 = arith.constant 400 : index
    %get3A_91 = tpu.vector_load %arg5[%get3A_90] {strides = array<i32>} : memref<1024xi32, #tpu.memory_space<vmem>>, vector<16xi32>,
    %add3A_92 = arith.addi %add3A_89, %get3A_91 : vector<16xi32>
    %get3A_93 = arith.constant 464 : index
    %get3A_94 = tpu.vector_load %arg5[%get3A_93] {strides = array<i32>} : memref<1024xi32, #tpu.memory_space<vmem>>, vector<16xi32>,
    %add3A_95 = arith.addi %add3A_92, %get3A_94 : vector<16xi32>
    %get3A_96 = arith.constant 528 : index
    %get3A_97 = tpu.vector_load %arg5[%get3A_96] {strides = array<i32>} : memref<1024xi32, #tpu.memory_space<vmem>>, vector<16xi32>,
    %add3A_98 = arith.addi %add3A_95, %get3A_97 : vector<16xi32>
    %get3A_99 = arith.constant 592 : index
    %get3A_100 = tpu.vector_load %arg5[%get3A_99] {strides = array<i32>} : memref<1024xi32, #tpu.memory_space<vmem>>, vector<16xi32>,
    %add3A_101 = arith.addi %add3A_98, %get3A_100 : vector<16xi32>
    %get3A_102 = arith.constant 656 : index
    %get3A_103 = tpu.vector_load %arg5[%get3A_102] {strides = array<i32>} : memref<1024xi32, #tpu.memory_space<vmem>>, vector<16xi32>,
    %add3A_104 = arith.addi %add3A_101, %get3A_103 : vector<16xi32>
    %get3A_105 = arith.constant 720 : index
    %get3A_106 = tpu.vector_load %arg5[%get3A_105] {strides = array<i32>} : memref<1024xi32, #tpu.memory_space<vmem>>, vector<16xi32>,
    %add3A_107 = arith.addi %add3A_104, %get3A_106 : vector<16xi32>
    %get3A_108 = arith.constant 784 : index
    %get3A_109 = tpu.vector_load %arg5[%get3A_108] {strides = array<i32>} : memref<1024xi32, #tpu.memory_space<vmem>>, vector<16xi32>,
    %add3A_110 = arith.addi %add3A_107, %get3A_109 : vector<16xi32>
    %get3A_111 = arith.constant 848 : index
    %get3A_112 = tpu.vector_load %arg5[%get3A_111] {strides = array<i32>} : memref<1024xi32, #tpu.memory_space<vmem>>, vector<16xi32>,
    %add3A_113 = arith.addi %add3A_110, %get3A_112 : vector<16xi32>
    %get3A_114 = arith.constant 912 : index
    %get3A_115 = tpu.vector_load %arg5[%get3A_114] {strides = array<i32>} : memref<1024xi32, #tpu.memory_space<vmem>>, vector<16xi32>,
    %add3A_116 = arith.addi %add3A_113, %get3A_115 : vector<16xi32>
    %get3A_117 = arith.constant 976 : index
    %get3A_118 = tpu.vector_load %arg5[%get3A_117] {strides = array<i32>} : memref<1024xi32, #tpu.memory_space<vmem>>, vector<16xi32>,
    %add3A_119 = arith.addi %add3A_116, %get3A_118 : vector<16xi32>
    %swap3A_120 = arith.constant 16 : index
    %swap3A_121 = tpu.vector_load %arg6[%swap3A_120] {strides = array<i32>} : memref<64xi32, #tpu.memory_space<vmem>>, vector<16xi32>,
    tpu.vector_store %arg6[%swap3A_120], %add3A_119 {strides = array<i32>} : memref<64xi32, #tpu.memory_space<vmem>>, vector<16xi32>,
    %get3A_122 = arith.constant 32 : index
    %get3A_123 = tpu.vector_load %arg5[%get3A_122] {strides = array<i32>} : memref<1024xi32, #tpu.memory_space<vmem>>, vector<16xi32>,
    %get3A_124 = arith.constant 96 : index
    %get3A_125 = tpu.vector_load %arg5[%get3A_124] {strides = array<i32>} : memref<1024xi32, #tpu.memory_space<vmem>>, vector<16xi32>,
    %add3A_126 = arith.addi %get3A_123, %get3A_125 : vector<16xi32>
    %get3A_127 = arith.constant 160 : index
    %get3A_128 = tpu.vector_load %arg5[%get3A_127] {strides = array<i32>} : memref<1024xi32, #tpu.memory_space<vmem>>, vector<16xi32>,
    %add3A_129 = arith.addi %add3A_126, %get3A_128 : vector<16xi32>
    %get3A_130 = arith.constant 224 : index
    %get3A_131 = tpu.vector_load %arg5[%get3A_130] {strides = array<i32>} : memref<1024xi32, #tpu.memory_space<vmem>>, vector<16xi32>,
    %add3A_132 = arith.addi %add3A_129, %get3A_131 : vector<16xi32>
    %get3A_133 = arith.constant 288 : index
    %get3A_134 = tpu.vector_load %arg5[%get3A_133] {strides = array<i32>} : memref<1024xi32, #tpu.memory_space<vmem>>, vector<16xi32>,
    %add3A_135 = arith.addi %add3A_132, %get3A_134 : vector<16xi32>
    %get3A_136 = arith.constant 352 : index
    %get3A_137 = tpu.vector_load %arg5[%get3A_136] {strides = array<i32>} : memref<1024xi32, #tpu.memory_space<vmem>>, vector<16xi32>,
    %add3A_138 = arith.addi %add3A_135, %get3A_137 : vector<16xi32>
    %get3A_139 = arith.constant 416 : index
    %get3A_140 = tpu.vector_load %arg5[%get3A_139] {strides = array<i32>} : memref<1024xi32, #tpu.memory_space<vmem>>, vector<16xi32>,
    %add3A_141 = arith.addi %add3A_138, %get3A_140 : vector<16xi32>
    %get3A_142 = arith.constant 480 : index
    %get3A_143 = tpu.vector_load %arg5[%get3A_142] {strides = array<i32>} : memref<1024xi32, #tpu.memory_space<vmem>>, vector<16xi32>,
    %add3A_144 = arith.addi %add3A_141, %get3A_143 : vector<16xi32>
    %get3A_145 = arith.constant 544 : index
    %get3A_146 = tpu.vector_load %arg5[%get3A_145] {strides = array<i32>} : memref<1024xi32, #tpu.memory_space<vmem>>, vector<16xi32>,
    %add3A_147 = arith.addi %add3A_144, %get3A_146 : vector<16xi32>
    %get3A_148 = arith.constant 608 : index
    %get3A_149 = tpu.vector_load %arg5[%get3A_148] {strides = array<i32>} : memref<1024xi32, #tpu.memory_space<vmem>>, vector<16xi32>,
    %add3A_150 = arith.addi %add3A_147, %get3A_149 : vector<16xi32>
    %get3A_151 = arith.constant 672 : index
    %get3A_152 = tpu.vector_load %arg5[%get3A_151] {strides = array<i32>} : memref<1024xi32, #tpu.memory_space<vmem>>, vector<16xi32>,
    %add3A_153 = arith.addi %add3A_150, %get3A_152 : vector<16xi32>
    %get3A_154 = arith.constant 736 : index
    %get3A_155 = tpu.vector_load %arg5[%get3A_154] {strides = array<i32>} : memref<1024xi32, #tpu.memory_space<vmem>>, vector<16xi32>,
    %add3A_156 = arith.addi %add3A_153, %get3A_155 : vector<16xi32>
    %get3A_157 = arith.constant 800 : index
    %get3A_158 = tpu.vector_load %arg5[%get3A_157] {strides = array<i32>} : memref<1024xi32, #tpu.memory_space<vmem>>, vector<16xi32>,
    %add3A_159 = arith.addi %add3A_156, %get3A_158 : vector<16xi32>
    %get3A_160 = arith.constant 864 : index
    %get3A_161 = tpu.vector_load %arg5[%get3A_160] {strides = array<i32>} : memref<1024xi32, #tpu.memory_space<vmem>>, vector<16xi32>,
    %add3A_162 = arith.addi %add3A_159, %get3A_161 : vector<16xi32>
    %get3A_163 = arith.constant 928 : index
    %get3A_164 = tpu.vector_load %arg5[%get3A_163] {strides = array<i32>} : memref<1024xi32, #tpu.memory_space<vmem>>, vector<16xi32>,
    %add3A_165 = arith.addi %add3A_162, %get3A_164 : vector<16xi32>
    %get3A_166 = arith.constant 992 : index
    %get3A_167 = tpu.vector_load %arg5[%get3A_166] {strides = array<i32>} : memref<1024xi32, #tpu.memory_space<vmem>>, vector<16xi32>,
    %add3A_168 = arith.addi %add3A_165, %get3A_167 : vector<16xi32>
    %swap3A_169 = arith.constant 32 : index
    %swap3A_170 = tpu.vector_load %arg6[%swap3A_169] {strides = array<i32>} : memref<64xi32, #tpu.memory_space<vmem>>, vector<16xi32>,
    tpu.vector_store %arg6[%swap3A_169], %add3A_168 {strides = array<i32>} : memref<64xi32, #tpu.memory_space<vmem>>, vector<16xi32>,
    %get3A_171 = arith.constant 48 : index
    %get3A_172 = tpu.vector_load %arg5[%get3A_171] {strides = array<i32>} : memref<1024xi32, #tpu.memory_space<vmem>>, vector<16xi32>,
    %get3A_173 = arith.constant 112 : index
    %get3A_174 = tpu.vector_load %arg5[%get3A_173] {strides = array<i32>} : memref<1024xi32, #tpu.memory_space<vmem>>, vector<16xi32>,
    %add3A_175 = arith.addi %get3A_172, %get3A_174 : vector<16xi32>
    %get3A_176 = arith.constant 176 : index
    %get3A_177 = tpu.vector_load %arg5[%get3A_176] {strides = array<i32>} : memref<1024xi32, #tpu.memory_space<vmem>>, vector<16xi32>,
    %add3A_178 = arith.addi %add3A_175, %get3A_177 : vector<16xi32>
    %get3A_179 = arith.constant 240 : index
    %get3A_180 = tpu.vector_load %arg5[%get3A_179] {strides = array<i32>} : memref<1024xi32, #tpu.memory_space<vmem>>, vector<16xi32>,
    %add3A_181 = arith.addi %add3A_178, %get3A_180 : vector<16xi32>
    %get3A_182 = arith.constant 304 : index
    %get3A_183 = tpu.vector_load %arg5[%get3A_182] {strides = array<i32>} : memref<1024xi32, #tpu.memory_space<vmem>>, vector<16xi32>,
    %add3A_184 = arith.addi %add3A_181, %get3A_183 : vector<16xi32>
    %get3A_185 = arith.constant 368 : index
    %get3A_186 = tpu.vector_load %arg5[%get3A_185] {strides = array<i32>} : memref<1024xi32, #tpu.memory_space<vmem>>, vector<16xi32>,
    %add3A_187 = arith.addi %add3A_184, %get3A_186 : vector<16xi32>
    %get3A_188 = arith.constant 432 : index
    %get3A_189 = tpu.vector_load %arg5[%get3A_188] {strides = array<i32>} : memref<1024xi32, #tpu.memory_space<vmem>>, vector<16xi32>,
    %add3A_190 = arith.addi %add3A_187, %get3A_189 : vector<16xi32>
    %get3A_191 = arith.constant 496 : index
    %get3A_192 = tpu.vector_load %arg5[%get3A_191] {strides = array<i32>} : memref<1024xi32, #tpu.memory_space<vmem>>, vector<16xi32>,
    %add3A_193 = arith.addi %add3A_190, %get3A_192 : vector<16xi32>
    %get3A_194 = arith.constant 560 : index
    %get3A_195 = tpu.vector_load %arg5[%get3A_194] {strides = array<i32>} : memref<1024xi32, #tpu.memory_space<vmem>>, vector<16xi32>,
    %add3A_196 = arith.addi %add3A_193, %get3A_195 : vector<16xi32>
    %get3A_197 = arith.constant 624 : index
    %get3A_198 = tpu.vector_load %arg5[%get3A_197] {strides = array<i32>} : memref<1024xi32, #tpu.memory_space<vmem>>, vector<16xi32>,
    %add3A_199 = arith.addi %add3A_196, %get3A_198 : vector<16xi32>
    %get3A_200 = arith.constant 688 : index
    %get3A_201 = tpu.vector_load %arg5[%get3A_200] {strides = array<i32>} : memref<1024xi32, #tpu.memory_space<vmem>>, vector<16xi32>,
    %add3A_202 = arith.addi %add3A_199, %get3A_201 : vector<16xi32>
    %get3A_203 = arith.constant 752 : index
    %get3A_204 = tpu.vector_load %arg5[%get3A_203] {strides = array<i32>} : memref<1024xi32, #tpu.memory_space<vmem>>, vector<16xi32>,
    %add3A_205 = arith.addi %add3A_202, %get3A_204 : vector<16xi32>
    %get3A_206 = arith.constant 816 : index
    %get3A_207 = tpu.vector_load %arg5[%get3A_206] {strides = array<i32>} : memref<1024xi32, #tpu.memory_space<vmem>>, vector<16xi32>,
    %add3A_208 = arith.addi %add3A_205, %get3A_207 : vector<16xi32>
    %get3A_209 = arith.constant 880 : index
    %get3A_210 = tpu.vector_load %arg5[%get3A_209] {strides = array<i32>} : memref<1024xi32, #tpu.memory_space<vmem>>, vector<16xi32>,
    %add3A_211 = arith.addi %add3A_208, %get3A_210 : vector<16xi32>
    %get3A_212 = arith.constant 944 : index
    %get3A_213 = tpu.vector_load %arg5[%get3A_212] {strides = array<i32>} : memref<1024xi32, #tpu.memory_space<vmem>>, vector<16xi32>,
    %add3A_214 = arith.addi %add3A_211, %get3A_213 : vector<16xi32>
    %get3A_215 = arith.constant 1008 : index
    %get3A_216 = tpu.vector_load %arg5[%get3A_215] {strides = array<i32>} : memref<1024xi32, #tpu.memory_space<vmem>>, vector<16xi32>,
    %add3A_217 = arith.addi %add3A_214, %get3A_216 : vector<16xi32>
    %swap3A_218 = arith.constant 48 : index
    %swap3A_219 = tpu.vector_load %arg6[%swap3A_218] {strides = array<i32>} : memref<64xi32, #tpu.memory_space<vmem>>, vector<16xi32>,
    tpu.vector_store %arg6[%swap3A_218], %add3A_217 {strides = array<i32>} : memref<64xi32, #tpu.memory_space<vmem>>, vector<16xi32>,
    "tpu.region"() ({
      %run_scoped3A = tpu.sem_alloc : memref<!tpu.dma_semaphore, #tpu.memory_space<semaphore_mem>>
      %dma_start3A_220 = arith.constant 0 : i32
      %dma_start3A_221 = tpu.memref_slice %arg3[%add3A, %dma_start3A_220] : memref<32x64xi32, #tpu.memory_space<hbm>> -> memref<1x64xi32, #tpu.memory_space<hbm>>
      %dma_start3A_222 = tpu.memref_squeeze %dma_start3A_221 : memref<1x64xi32, #tpu.memory_space<hbm>> -> memref<64xi32, #tpu.memory_space<hbm>>
      %dma_start3A_223 = arith.constant 0 : i32
      %dma_start3A_224 = tpu.memref_slice %arg3[%add3A, %dma_start3A_223] : memref<32x64xi32, #tpu.memory_space<hbm>> -> memref<1x64xi32, #tpu.memory_space<hbm>>
      %dma_start3A_225 = tpu.memref_squeeze %dma_start3A_224 : memref<1x64xi32, #tpu.memory_space<hbm>> -> memref<64xi32, #tpu.memory_space<hbm>>
      tpu.enqueue_dma source(%arg6 : memref<64xi32, #tpu.memory_space<vmem>>) target(%dma_start3A_225 : memref<64xi32, #tpu.memory_space<hbm>>) target_semaphore(%run_scoped3A : memref<!tpu.dma_semaphore, #tpu.memory_space<semaphore_mem>>)
      %dma_wait3A_226 = arith.constant 0 : i32
      %dma_wait3A_227 = tpu.memref_slice %arg3[%add3A, %dma_wait3A_226] : memref<32x64xi32, #tpu.memory_space<hbm>> -> memref<1x64xi32, #tpu.memory_space<hbm>>
      %dma_wait3A_228 = tpu.memref_squeeze %dma_wait3A_227 : memref<1x64xi32, #tpu.memory_space<hbm>> -> memref<64xi32, #tpu.memory_space<hbm>>
      %dma_wait3A_229 = arith.constant 0 : i32
      %dma_wait3A_230 = tpu.memref_slice %arg3[%add3A, %dma_wait3A_229] : memref<32x64xi32, #tpu.memory_space<hbm>> -> memref<1x64xi32, #tpu.memory_space<hbm>>
      %dma_wait3A_231 = tpu.memref_squeeze %dma_wait3A_230 : memref<1x64xi32, #tpu.memory_space<hbm>> -> memref<64xi32, #tpu.memory_space<hbm>>
      tpu.wait_dma2 semaphore(%run_scoped3A : memref<!tpu.dma_semaphore, #tpu.memory_space<semaphore_mem>>) src(%arg6 : memref<64xi32, #tpu.memory_space<vmem>>) dst(%dma_wait3A_231 : memref<64xi32, #tpu.memory_space<hbm>>)
      tpu.yield
    }) : () -> ()
    return
  }
}

module attributes {stable_mosaic.version = 14 : i64} {
  func.func @_tc_loss_body(%arg0: i32, %arg1: i32, %arg2: memref<32x64xi32, #tpu.memory_space<vmem>>, %arg3: memref<1x64x2048xf32, #tpu.memory_space<vmem>>, %arg4: memref<1x1xf32, #tpu.memory_space<vmem>>, %arg5: memref<64x128xf32, #tpu.memory_space<vmem>>) attributes {dimension_semantics = [#tpu.dimension_semantics<arbitrary>, #tpu.dimension_semantics<arbitrary>], iteration_bounds = array<i64: 4, 4>, scalar_prefetch = 0 : i64, scratch_operands = 1 : i64, tpu.core_type = #tpu.core_type<tc>, window_params = [{pipeline_mode = #tpu.pipeline_mode<synchronous>, transform_indices = @transform_0, window_bounds = array<i64: 32, 64>}, {transform_indices = @transform_1, window_bounds = array<i64: 1, 64, 2048>}, {pipeline_mode = #tpu.pipeline_mode<synchronous>, transform_indices = @transform_2, window_bounds = array<i64: 1, 1>}]} {
    %mul3A = arith.constant 4 : i32
    %mul3A_0 = arith.muli %arg0, %mul3A : i32
    %add3A = arith.addi %mul3A_0, %arg1 : i32
    %get3A = arith.constant 0 : index
    %get3A_1 = arith.constant 0 : index
    %get3A_2 = arith.constant 0 : index
    %get3A_3 = vector.load %arg3[%get3A, %get3A_1, %get3A_2] : memref<1x64x2048xf32, #tpu.memory_space<vmem>>, vector<1x64x2048xf32>
    %get3A_4 = vector.shape_cast %get3A_3 : vector<1x64x2048xf32> to vector<64x2048xf32>
    %reduce_max3A = arith.constant dense<0xFF800000> : vector<2048xf32>
    %reduce_max3A_5 = vector.multi_reduction <maximumf>, %get3A_4, %reduce_max3A [0] : vector<64x2048xf32> to vector<2048xf32>
    %broadcast_in_dim3A = vector.shape_cast %reduce_max3A_5 : vector<2048xf32> to vector<1x2048xf32>
    %sub3A = vector.broadcast %broadcast_in_dim3A : vector<1x2048xf32> to vector<64x2048xf32>
    %sub3A_6 = arith.subf %get3A_4, %sub3A : vector<64x2048xf32>
    %exp3A = math.exp %sub3A_6 : vector<64x2048xf32>
    %reduce_sum3A = arith.constant dense<0.000000e+00> : vector<2048xf32>
    %reduce_sum3A_7 = vector.multi_reduction <add>, %exp3A, %reduce_sum3A [0] : vector<64x2048xf32> to vector<2048xf32>
    %broadcast_in_dim3A_8 = vector.shape_cast %reduce_sum3A_7 : vector<2048xf32> to vector<1x2048xf32>
    %div3A = arith.constant 1.000000e+00 : f32
    %div3A_9 = vector.broadcast %div3A : f32 to vector<1x2048xf32>
    %div3A_10 = arith.divf %div3A_9, %broadcast_in_dim3A_8 : vector<1x2048xf32>
    %mul3A_11 = vector.broadcast %div3A_10 : vector<1x2048xf32> to vector<64x2048xf32>
    %mul3A_12 = arith.mulf %exp3A, %mul3A_11 : vector<64x2048xf32>
    %slice3A = vector.extract_strided_slice %mul3A_12 {offsets = [0, 0], sizes = [64, 128], strides = [1, 1]} : vector<64x2048xf32> to vector<64x128xf32>
    %slice3A_13 = vector.extract_strided_slice %mul3A_12 {offsets = [0, 128], sizes = [64, 128], strides = [1, 1]} : vector<64x2048xf32> to vector<64x128xf32>
    %add3A_14 = arith.addf %slice3A, %slice3A_13 : vector<64x128xf32>
    %slice3A_15 = vector.extract_strided_slice %mul3A_12 {offsets = [0, 256], sizes = [64, 128], strides = [1, 1]} : vector<64x2048xf32> to vector<64x128xf32>
    %add3A_16 = arith.addf %add3A_14, %slice3A_15 : vector<64x128xf32>
    %slice3A_17 = vector.extract_strided_slice %mul3A_12 {offsets = [0, 384], sizes = [64, 128], strides = [1, 1]} : vector<64x2048xf32> to vector<64x128xf32>
    %add3A_18 = arith.addf %add3A_16, %slice3A_17 : vector<64x128xf32>
    %slice3A_19 = vector.extract_strided_slice %mul3A_12 {offsets = [0, 512], sizes = [64, 128], strides = [1, 1]} : vector<64x2048xf32> to vector<64x128xf32>
    %add3A_20 = arith.addf %add3A_18, %slice3A_19 : vector<64x128xf32>
    %slice3A_21 = vector.extract_strided_slice %mul3A_12 {offsets = [0, 640], sizes = [64, 128], strides = [1, 1]} : vector<64x2048xf32> to vector<64x128xf32>
    %add3A_22 = arith.addf %add3A_20, %slice3A_21 : vector<64x128xf32>
    %slice3A_23 = vector.extract_strided_slice %mul3A_12 {offsets = [0, 768], sizes = [64, 128], strides = [1, 1]} : vector<64x2048xf32> to vector<64x128xf32>
    %add3A_24 = arith.addf %add3A_22, %slice3A_23 : vector<64x128xf32>
    %slice3A_25 = vector.extract_strided_slice %mul3A_12 {offsets = [0, 896], sizes = [64, 128], strides = [1, 1]} : vector<64x2048xf32> to vector<64x128xf32>
    %add3A_26 = arith.addf %add3A_24, %slice3A_25 : vector<64x128xf32>
    %slice3A_27 = vector.extract_strided_slice %mul3A_12 {offsets = [0, 1024], sizes = [64, 128], strides = [1, 1]} : vector<64x2048xf32> to vector<64x128xf32>
    %add3A_28 = arith.addf %add3A_26, %slice3A_27 : vector<64x128xf32>
    %slice3A_29 = vector.extract_strided_slice %mul3A_12 {offsets = [0, 1152], sizes = [64, 128], strides = [1, 1]} : vector<64x2048xf32> to vector<64x128xf32>
    %add3A_30 = arith.addf %add3A_28, %slice3A_29 : vector<64x128xf32>
    %slice3A_31 = vector.extract_strided_slice %mul3A_12 {offsets = [0, 1280], sizes = [64, 128], strides = [1, 1]} : vector<64x2048xf32> to vector<64x128xf32>
    %add3A_32 = arith.addf %add3A_30, %slice3A_31 : vector<64x128xf32>
    %slice3A_33 = vector.extract_strided_slice %mul3A_12 {offsets = [0, 1408], sizes = [64, 128], strides = [1, 1]} : vector<64x2048xf32> to vector<64x128xf32>
    %add3A_34 = arith.addf %add3A_32, %slice3A_33 : vector<64x128xf32>
    %slice3A_35 = vector.extract_strided_slice %mul3A_12 {offsets = [0, 1536], sizes = [64, 128], strides = [1, 1]} : vector<64x2048xf32> to vector<64x128xf32>
    %add3A_36 = arith.addf %add3A_34, %slice3A_35 : vector<64x128xf32>
    %slice3A_37 = vector.extract_strided_slice %mul3A_12 {offsets = [0, 1664], sizes = [64, 128], strides = [1, 1]} : vector<64x2048xf32> to vector<64x128xf32>
    %add3A_38 = arith.addf %add3A_36, %slice3A_37 : vector<64x128xf32>
    %slice3A_39 = vector.extract_strided_slice %mul3A_12 {offsets = [0, 1792], sizes = [64, 128], strides = [1, 1]} : vector<64x2048xf32> to vector<64x128xf32>
    %add3A_40 = arith.addf %add3A_38, %slice3A_39 : vector<64x128xf32>
    %slice3A_41 = vector.extract_strided_slice %mul3A_12 {offsets = [0, 1920], sizes = [64, 128], strides = [1, 1]} : vector<64x2048xf32> to vector<64x128xf32>
    %add3A_42 = arith.addf %add3A_40, %slice3A_41 : vector<64x128xf32>
    %eq3A = arith.constant 0 : i32
    %eq3A_43 = arith.cmpi eq, %add3A, %eq3A : i32
    %convert_element_type3A = arith.extui %eq3A_43 : i1 to i32
    %cond3A = arith.constant 0 : i32
    %cond3A_44 = arith.cmpi ne, %convert_element_type3A, %cond3A : i32
    scf.if %cond3A_44 {
      %swap3A = arith.constant 0 : index
      %swap3A_54 = arith.constant 0 : index
      %swap3A_55 = vector.load %arg5[%swap3A, %swap3A_54] : memref<64x128xf32, #tpu.memory_space<vmem>>, vector<64x128xf32>
      tpu.vector_store %arg5[%swap3A, %swap3A_54], %add3A_42 {strides = array<i32>} : memref<64x128xf32, #tpu.memory_space<vmem>>, vector<64x128xf32>,
    } else {
    }
    %ne3A = arith.constant 0 : i32
    %ne3A_45 = arith.cmpi ne, %add3A, %ne3A : i32
    %convert_element_type3A_46 = arith.extui %ne3A_45 : i1 to i32
    %cond3A_47 = arith.constant 0 : i32
    %cond3A_48 = arith.cmpi ne, %convert_element_type3A_46, %cond3A_47 : i32
    scf.if %cond3A_48 {
      %get3A_54 = arith.constant 0 : index
      %get3A_55 = arith.constant 0 : index
      %get3A_56 = vector.load %arg5[%get3A_54, %get3A_55] : memref<64x128xf32, #tpu.memory_space<vmem>>, vector<64x128xf32>
      %add3A_57 = arith.addf %get3A_56, %add3A_42 : vector<64x128xf32>
      %swap3A = arith.constant 0 : index
      %swap3A_58 = arith.constant 0 : index
      %swap3A_59 = vector.load %arg5[%swap3A, %swap3A_58] : memref<64x128xf32, #tpu.memory_space<vmem>>, vector<64x128xf32>
      tpu.vector_store %arg5[%swap3A, %swap3A_58], %add3A_57 {strides = array<i32>} : memref<64x128xf32, #tpu.memory_space<vmem>>, vector<64x128xf32>,
    } else {
    }
    %eq3A_49 = arith.constant 15 : i32
    %eq3A_50 = arith.cmpi eq, %add3A, %eq3A_49 : i32
    %convert_element_type3A_51 = arith.extui %eq3A_50 : i1 to i32
    %cond3A_52 = arith.constant 0 : i32
    %cond3A_53 = arith.cmpi ne, %convert_element_type3A_51, %cond3A_52 : i32
    scf.if %cond3A_53 {
      %get3A_54 = arith.constant 0 : index
      %get3A_55 = arith.constant 0 : index
      %get3A_56 = vector.load %arg2[%get3A_54, %get3A_55] : memref<32x64xi32, #tpu.memory_space<vmem>>, vector<32x64xi32>
      %convert_element_type3A_57 = arith.sitofp %get3A_56 : vector<32x64xi32> to vector<32x64xf32>
      %reduce_sum3A_58 = arith.constant dense<0.000000e+00> : vector<64xf32>
      %reduce_sum3A_59 = vector.multi_reduction <add>, %convert_element_type3A_57, %reduce_sum3A_58 [0] : vector<32x64xf32> to vector<64xf32>
      %broadcast_in_dim3A_60 = vector.shape_cast %reduce_sum3A_59 : vector<64xf32> to vector<1x64xf32>
      %get3A_61 = arith.constant 0 : index
      %get3A_62 = arith.constant 0 : index
      %get3A_63 = vector.load %arg5[%get3A_61, %get3A_62] : memref<64x128xf32, #tpu.memory_space<vmem>>, vector<64x128xf32>
      %dot_general3A = arith.constant dense<0.000000e+00> : vector<1x128xf32>
      %dot_general3A_64 = tpu.matmul %broadcast_in_dim3A_60, %get3A_63, %dot_general3A {dimension_numbers = #tpu.dot_dimension_numbers<[1], [0], [0], [1], [0, 0, 1, 1], [], []>, transpose_lhs_hint = false} : vector<1x64xf32>, vector<64x128xf32>, vector<1x128xf32> -> vector<1x128xf32>
      %reduce_sum3A_65 = arith.constant dense<0.000000e+00> : vector<1xf32>
      %reduce_sum3A_66 = vector.multi_reduction <add>, %dot_general3A_64, %reduce_sum3A_65 [1] : vector<1x128xf32> to vector<1xf32>
      %broadcast_in_dim3A_67 = vector.shape_cast %reduce_sum3A_66 : vector<1xf32> to vector<1x1xf32>
      %mul3A_68 = arith.constant 4.76837148E-9 : f32
      %mul3A_69 = vector.broadcast %mul3A_68 : f32 to vector<1x1xf32>
      %mul3A_70 = arith.mulf %broadcast_in_dim3A_67, %mul3A_69 : vector<1x1xf32>
      %swap3A = arith.constant 0 : index
      %swap3A_71 = arith.constant 0 : index
      %swap3A_72 = vector.load %arg4[%swap3A, %swap3A_71] : memref<1x1xf32, #tpu.memory_space<vmem>>, vector<1x1xf32>
      tpu.vector_store %arg4[%swap3A, %swap3A_71], %mul3A_70 {strides = array<i32>} : memref<1x1xf32, #tpu.memory_space<vmem>>, vector<1x1xf32>,
    } else {
    }
    return
  }
  func.func @transform_0(%arg0: i32, %arg1: i32) -> (i32, i32) {
    %c0_i32 = arith.constant 0 : i32
    %c0_i32_0 = arith.constant 0 : i32
    %c0_i32_1 = arith.constant 0 : i32
    return %c0_i32, %c0_i32_0 : i32, i32
  }
  func.func @transform_1(%arg0: i32, %arg1: i32) -> (i32, i32, i32) {
    %c0_i32 = arith.constant 0 : i32
    %c0_i32_0 = arith.constant 0 : i32
    return %arg0, %c0_i32, %arg1 : i32, i32, i32
  }
  func.func @transform_2(%arg0: i32, %arg1: i32) -> (i32, i32) {
    %c0_i32 = arith.constant 0 : i32
    %c0_i32_0 = arith.constant 0 : i32
    %c0_i32_1 = arith.constant 0 : i32
    return %c0_i32, %c0_i32_0 : i32, i32
  }
}

</mosaic_0001>

<sc_bundles>
// kernel: kernel.4.cloned.1.call-start
scs
__scs_entry_jumppad:
0x0: {  	(pc) =	sbr.rel $0x88, $3  }
0x1: {  	(tag) =	ssettag $0x0;
	lr =	simm.s32 $0x1  }
0x2: {  	[smem:$0x3F9F] =	sst lr;
	_ =	strace $0xD0000000  }
0x3: {  	_ = 	snop  }
0x4: {  	_ = 	snop  }
0x5: {  	_ = 	snop  }
0x6: {  	_ = 	snop  }
0x7: {  	_ = 	snop  }
__scs_overlays_trampoline_lowered:
0x8: {  	[smem:$0x3FAE] =	sst s0  }
0x9: {  	[smem:$0x3FAF] =	sst s1  }
0xa: {  	[smem:$0x3FB0] =	sst s2  }
0xb: {  	[smem:$0x3FB1] =	sst s3  }
0xc: {  	[smem:$0x3FB2] =	sst s4  }
0xd: {  	[smem:$0x3FB3] =	sst s5  }
0xe: {  	[smem:$0x3FB4] =	sst s6  }
0xf: {  	[smem:$0x3FB5] =	sst s7  }
0x10: {  	[smem:$0x3FB6] =	sst s8  }
0x11: {  	[smem:$0x3FB7] =	sst s9;
	s0 =	simm.s32 @!p0 $0x0  }
0x12: {  	s1 =	sld [smem:$0x3F9D];
	s0 =	simm.s32 @p0 $0x1  }
0x13: {  	[smem:$0x3FB8] =	sst s0;
	s0 =	simm.s32 @!p1 $0x0  }
0x14: {  	s2 =	sld [smem:$0x3F9C];
	s0 =	simm.s32 @p1 $0x1  }
0x15: {  	[smem:$0x3FB9] =	sst s0;
	s0 =	simm.s32 @!p2 $0x0  }
0x16: {  	s3 =	sld [smem:$0x3FDB];
	s0 =	simm.s32 @p2 $0x1  }
0x17: {  	s4 =	simm.s32 $0x1BF5;
	[smem:$0x3FBB] =	sst s0  }
0x18: {  	s0 =	sld [smem:$0x3F9E];
	_ =	swait.ge [sflag:s4], $0x0  }
0x19: {  	s7 =	sld [smem:$0x3F9F]  }
0x1a: {  	s8 =	sadd.s32 $0xFFFFE003, lr  }
0x1b: {  	s9 =	sadd.s32 $0xFFFFFEF7, lr;
	s5 =	simm.s32 $0xFFFFFFFF;
	p2 =	slt.u32 s8, $0xFFFFF086  }
0x1c: {  	p1 =	slt.u32 s9, $0xF7A;
	s5 =	simm.s32 @!p2 $0x0  }
0x1d: {  	s5 =	simm.s32 @p1 $0x1;
	p0 =	seq.s32 s7, s2  }
0x1e: {  	s7 =	smul.u32 @!p0 $0xF7A, s2;
	p2 =	seq.s32 @!p0 s5, $0x0  }
0x1f: {  	s9 =	smul.u32 $0xF7A, s1;
	s8 =	simm.s32 @!p0 $0x1BF5;
	p2 =	por !p2, p0  }
0x20: {  	[sflag:s8] =	ssyncset.s32 @!p0 $0xFFFFF086;
	s6 =	sadd.s32 @!p0 s3, s7;
	s7 =	simm.s32 @!p0 $0x108  }
0x21: {  	s3 =	sadd.s32 s3, s9;
	s6 =	sadd.s32 @!p0 $0x88, s6;
	s7 =	simm.s32 @p2 $0x1082  }
0x22: {  	[simem:s7], [sflag:s8] =	dma.local @!p0 [hbm:s6], $0xF7A  }
0x23: {  	s9 =	sor.u32 $0xD0000000, s2;
	s6 =	simm.s32 $0x108;
	_ =	swait.ge @!p0 [sflag:s8], $0x0  }
0x24: {  	s3 =	sadd.s32 $0x88, s3;
	s6 =	simm.s32 @!p1 $0x1082;
	[sflag:s4] =	ssyncset.s32 $0xFFFFF086  }
0x25: {  	[simem:s6], [sflag:s4] =	dma.local [hbm:s3], $0xF7A  }
0x26: {  	[smem:$0x3F9F] =	sst s1;
	(tag) =	ssettag s2;
	_ =	strace s9  }
0x27: {  	s1 =	sld [smem:$0x3FAF]  }
0x28: {  	s2 =	sld [smem:$0x3FB0]  }
0x29: {  	s4 =	sld [smem:$0x3FB2]  }
0x2a: {  	p0 =	seq.s32 s5, $0x0;
	s5 =	sld [smem:$0x3FB3]  }
0x2b: {  	s6 =	sld [smem:$0x3FB4]  }
0x2c: {  	s7 =	sld [smem:$0x3FB5]  }
0x2d: {  	s3 =	simm.s32 $0x108;
	s8 =	sld [smem:$0x3FB6]  }
0x2e: {  	s3 =	simm.s32 @!p0 $0x1082;
	s9 =	sld [smem:$0x3FB7]  }
0x2f: {  	lr =	sadd.s32 s0, s3;
	s0 =	sld [smem:$0x3FAE]  }
0x30: {  	s3 =	sld [smem:$0x3FB1]  }
0x31: {  	[smem:$0x3FBA] =	sst s10  }
0x32: {  	s10 =	sld [smem:$0x3FB8];
	_ =	sdelay $0x3  }
0x33: {  	p0 =	seq.s32 s10, $0x1;
	s10 =	sld [smem:$0x3FBA];
	_ =	sdelay $0x3  }
0x34: {  	[smem:$0x3FBA] =	sst s10  }
0x35: {  	s10 =	sld [smem:$0x3FB9];
	_ =	sdelay $0x3  }
0x36: {  	p1 =	seq.s32 s10, $0x1;
	s10 =	sld [smem:$0x3FBA];
	_ =	sdelay $0x3  }
0x37: {  	[smem:$0x3FBA] =	sst s10  }
0x38: {  	s10 =	sld [smem:$0x3FBB]  }
0x39: {  	_ = 	snop;
	(pc) =	sbr.ind lr, $3  }
0x3a: {  	_ = 	snop  }
0x3b: {  	_ = 	snop  }
0x3c: {  	p2 =	seq.s32 s10, $0x1;
	s10 =	sld [smem:$0x3FBA]  }
0x3d: {  	_ =	shalt  }
0x3e: {  	_ =	shalt  }
0x3f: {  	_ =	shalt  }
0x40: {  	_ =	shalt  }
0x41: {  	_ =	shalt  }
0x42: {  	_ =	shalt  }
0x43: {  	_ =	shalt  }
0x44: {  	_ =	shalt  }
0x45: {  	_ =	shalt  }
0x46: {  	_ =	shalt  }
0x47: {  	_ =	shalt  }
0x48: {  	_ =	shalt  }
0x49: {  	_ =	shalt  }
0x4a: {  	_ =	shalt  }
0x4b: {  	_ =	shalt  }
0x4c: {  	_ =	shalt  }
0x4d: {  	_ =	shalt  }
0x4e: {  	_ =	shalt  }
0x4f: {  	_ =	shalt  }
0x50: {  	_ =	shalt  }
0x51: {  	_ =	shalt  }
0x52: {  	_ =	shalt  }
0x53: {  	_ =	shalt  }
0x54: {  	_ =	shalt  }
0x55: {  	_ =	shalt  }
0x56: {  	_ =	shalt  }
0x57: {  	_ =	shalt  }
0x58: {  	_ =	shalt  }
0x59: {  	_ =	shalt  }
0x5a: {  	_ =	shalt  }
0x5b: {  	_ =	shalt  }
0x5c: {  	_ =	shalt  }
0x5d: {  	_ =	shalt  }
0x5e: {  	_ =	shalt  }
0x5f: {  	_ =	shalt  }
0x60: {  	_ =	shalt  }
0x61: {  	_ =	shalt  }
0x62: {  	_ =	shalt  }
0x63: {  	_ =	shalt  }
0x64: {  	_ =	shalt  }
0x65: {  	_ =	shalt  }
0x66: {  	_ =	shalt  }
0x67: {  	_ =	shalt  }
0x68: {  	_ =	shalt  }
0x69: {  	_ =	shalt  }
0x6a: {  	_ =	shalt  }
0x6b: {  	_ =	shalt  }
0x6c: {  	_ =	shalt  }
0x6d: {  	_ =	shalt  }
0x6e: {  	_ =	shalt  }
0x6f: {  	_ =	shalt  }
0x70: {  	_ =	shalt  }
0x71: {  	_ =	shalt  }
0x72: {  	_ =	shalt  }
0x73: {  	_ =	shalt  }
0x74: {  	_ =	shalt  }
0x75: {  	_ =	shalt  }
0x76: {  	_ =	shalt  }
0x77: {  	_ =	shalt  }
0x78: {  	_ =	shalt  }
0x79: {  	_ =	shalt  }
0x7a: {  	_ =	shalt  }
0x7b: {  	_ =	shalt  }
0x7c: {  	_ =	shalt  }
0x7d: {  	_ =	shalt  }
0x7e: {  	_ =	shalt  }
0x7f: {  	_ =	shalt  }
0x80: {  	_ =	shalt  }
0x81: {  	_ =	shalt  }
0x82: {  	_ =	shalt  }
0x83: {  	_ =	shalt  }
0x84: {  	_ =	shalt  }
0x85: {  	_ =	shalt  }
0x86: {  	_ =	shalt  }
0x87: {  	_ =	shalt  }
.Lfunc_end0:
.L_simem_size_0:
called_computation_lowered:
.L_overlay_start_0:
0x88: {  	s2 =	sld [smem:$0x3FD9]  }
0x89: {  	s3 =	sld [smem:$0x3FFE];
	_ =	sdelay $0x1  }
0x8a: {  	s1 =	srdreg.scid  }
0x8b: {  	s0 =	sand.u32 $0x1, s1  }
0x8c: {  	s17 =	sshll.u32 s0, $0xA;
	s2 =	sadd.s32 s3, s2  }
0x8d: {  	s2 =	sadd.s32 s2, s17  }
0x8e: {  	[smem:$0x3FC6] =	sst s2  }
0x8f: {  	_ = 	snop  }
0x90: {  	s2 =	sld [smem:$0x3FC8];
	(tm) =	ssettm $0x1  }
0x91: {  	s18 =	sld [smem:$0x3FFB];
	_ =	sdelay $0x3  }
0x92: {  	_ =	strace s18  }
0x93: {  	s3 =	sld [smem:$0x3FFC];
	_ =	sdelay $0x3  }
0x94: {  	_ =	strace s3  }
0x95: {  	s3 =	sld [smem:$0x3FFD];
	_ =	sdelay $0x3  }
0x96: {  	_ =	strace s3  }
0x97: {  	_ =	strace $0x8FFFFFFF  }
0x98: {  	s19 =	sld [smem:$0x3FDB];
	_ =	sdelay $0x1  }
0x99: {  	s4 =	simm.s32 $_scs_section_size  }
0x9a: {  	s5 =	simm.s32 $_size__tile_overlayer_lowered;
	s6 =	simm.s32 $_tile_overlayer_lowered  }
0x9b: {  	s22 =	simm.s32 $0x1BFF;
	s21 =	sshll.u32 s6, $0x1;
	s3 =	sadd.s32 s4, s19  }
0x9c: {  	s7 =	simm.s32 $0x0;
	s20 =	sshll.u32 s5, $0x1;
	s5 =	sadd.s32 s21, s3  }
0x9d: {  	[timem:s7], [sflag:s22] =	dma.local [hbm:s5], s20  }
0x9e: {  	_ =	swait.ge [sflag:s22], s20  }
0x9f: {  	s4 =	ssub.s32 $0x0, s20;
	[sflag:s22] =	ssyncset.done $0x0  }
0xa0: {  	[sflag:s22] =	ssyncadd.s32 s4;
	_ =	sdelay $0x1  }
0xa1: {  	s23 =	simm.s32 $0x1B8B  }
0xa2: {  	_ =	swait.ge [sflag:s23], $0x1  }
0xa3: {  	[sflag:s23] =	ssyncset.done $0x0  }
0xa4: {  	s25 =	simm.s32 $0x1B8E;
	s24 =	sld [smem:$0x3FFE];
	[sflag:s23] =	ssyncadd.s32 $0xFFFFFFFF  }
0xa5: {  	s26 =	simm.s32 $execute0_lowered;
	[smem:$0x3FD2] =	sst s25  }
0xa6: {  	s5 =	sshll.u32 s26, $0x1;
	_ =	strace $0x80000046;
	[dreg:$0x1] =	wrdreg $0xFFFFFFFF  }
0xa7: {  	s28 =	simm.s32 $_size_execute0_lowered;
	s3 =	sadd.s32 s3, s5;
	[dreg:$0x0] =	wrdreg $0x0  }
0xa8: {  	s5 =	sshll.u32 s28, $0x1;
	[dreg:$0x2] =	wrdreg s3  }
0xa9: {  	[dreg:$0x3] =	wrdreg s5  }
0xaa: {  	[dreg:$0x4] =	wrdreg $0xC0  }
0xab: {  	_ =	task [dreg:s7], $0x5FFFF  }
0xac: {  	[dreg:$0x1] =	wrdreg $0xFFFFFFFF  }
0xad: {  	[dreg:$0x0] =	wrdreg $0x60  }
0xae: {  	[dreg:$0x2] =	wrdreg s2  }
0xaf: {  	[dreg:$0x3] =	wrdreg s24  }
0xb0: {  	[dreg:$0x4] =	wrdreg $0x9  }
0xb1: {  	_ =	task.clear_ibuf [dreg:s7], $0x5FFFF;
	_ =	strace $0x90000046  }
0xb2: {  	s29 =	simm.s32 $0x9;
	_ =	strace $0x80000048  }
0xb3: {  	_ =	swait.ge [sflag:s29], $0x1  }
0xb4: {  	[sflag:s29] =	ssyncadd.s32 $0xFFFFFFFF  }
0xb5: {  	_ =	strace $0x90000048  }
0xb6: {  	_ =	sfence  }
0xb7: {  	s30 =	sld [smem:$0x0];
	_ =	sdelay $0x2  }
0xb8: {  	s31 =	sshll.u32 s1, $0xD;
	s1 =	sshrl.u32 s1, $0x2  }
0xb9: {  	s3 =	sand.u32 $0x4000, s31;
	s1 =	sadd.s32 s1, s30  }
0xba: {  	s0 =	sor.u32 s3, s0;
	s1 =	sshll.u32 s1, $0x11  }
0xbb: {  	s0 =	sor.u32 s1, s0  }
0xbc: {  	s0 =	sadd.s32 $0x8F2B, s0  }
0xbd: {  	[sflag:s0] =	ssyncadd.remote.s32 $0x1  }
0xbe: {  	_ =	sfence.sel $0xFFFF  }
0xbf: {  	[dreg:$0x0] =	wrdreg $0xFFFFFFFF;
	(pc) =	sbr.abs _section_cstart, $3  }
0xc0: {  	[dreg:$0x1] =	wrdreg $0xFFFFFFFF  }
0xc1: {  	_ =	task.clear_ibuf [dreg:s7], $0x2FFFF;
	_ =	strace $0x9FFFFFFF  }
0xc2: {  	(tm) =	ssettm $0x7FFFFFFF  }
0xc3: {  	_ =	shalt  }
tec
execute0_lowered:
.L_overlay_start_1:
0x0: {  	(tag) =	ssettag $0x1  }
0x1: {  	s3 =	rddreg [dreg:$0x0]  }
0x2: {  	s4 =	rddreg [dreg:$0x1]  }
0x3: {  	s0 =	rddreg [dreg:$0x2];
	s2 =	simm.s32 $0x0  }
0x4: {  	s5 =	srdreg.scid;
	s1 =	stileid.u32;
	s9 =	simm.s32 $0x2000  }
0x5: {  	s10 =	simm.s32 $0x2400;
	s11 =	simm.s32 $0x2;
	s12 =	simm.s32 $0x0  }
0x6: {  	[smem:$0x7FF] =	sst s2;
	s5 =	sand.u32 $0x1, s5;
	s6 =	sshll.u32 s1, $0x8  }
0x7: {  	s7 =	sshrl.u32 s1, $0x2;
	_ =	strace $0x80000047;
	s8 =	sshll.u32 s5, $0x7  }
0x8: {  	s6 =	sand.u32 $0x300, s6;
	s29 =	sshll.u32 s7, $0xA;
	s5 =	ssub.s32 $0x2, s5  }
0x9: {  	s7 =	sshll.u32 s7, $0x10;
	s6 =	sor.u32 s8, s6;
	s31 =	sshrl.u32 s5, $0x1  }
0xa: {  	s8 =	sor.u32 s29, s6;
	s6 =	sor.u32 s7, s6;
	s5 =	ssub.s32 s5, s31  }
0xb: {  	s7 =	simm.s32 $0x400;
	s30 =	sshrl.u32 s8, $0x3;
	s6 =	sshrl.u32 s6, $0x3  }
0xc: {  	v1 =	vlaneseq.u32;
	s5 =	smax.u32 s5, $0x1;
	s8 =	simm.s32 $0x1;
	s4 =	sadd.s32 s30, s4  }
0xd: {  	v0 =	vimm.s32 $0x0;
	v2 =	vimm.s32 $0x1;
	v1 =	vmul.u32 $0x40, v1;
	s3 =	sadd.s32 s3, s6;
	s6 =	simm.s32 $0x80;
	s4 =	sadd.s32 $0x800, s4  }
.LBB2_1:
0xe: {  	[tilespmem:s2], [sflag:$0x1] =	stream.strided.gather [hbm4b:s3+s6], $0x2000, s7, s6, $0x38;
	[tilespmem:$0x2480] =	vst v63  }
0xf: {  	s13 =	simm.s32 $0x40;
	s14 =	simm.s32 $0x0  }
.LBB2_2:
0x10: {  	p0 =	sne.s32 s13, $0xFC0;
	[tilespmem:s14+$0x2000] =	vst v0;
	s14 =	smov.u32 s13;
	s13 =	sadd.s32 $0x40, s13  }
.Ltmp0:
0x11: {  	(pc) =	sbr.rel @p0 .LBB2_2-.Ltmp0, $2  }
0x12: {  	_ =	sdelay $0x2  }
0x13: {  	s14 =	sshra.s32 s14, $0x2  }
0x14: {  	[tilespmem:s14+$0x2000] =	vst v0  }
0x15: {  	_ =	swait.ge [sflag:s8], $0x2000  }
0x16: {  	[sflag:s8] =	ssyncset.done $0x0  }
0x17: {  	s14 =	simm.s32 $0x0;
	s13 =	simm.s32 $0x40;
	[sflag:s8] =	ssyncadd.s32 $0xFFFFE000  }
.LBB2_4:
0x18: {  	p0 =	sne.s32 s13, $0x7FC0;
	v3 =	vld [tilespmem:s14+$0x0];
	_ =	sdelay $0x4  }
0x19: {  	v3 =	vadd.s32 v1, v3  }
.Ltmp1:
0x1a: {  	(pc) =	sbr.rel @p0 .LBB2_4-.Ltmp1, $2  }
0x1b: {  	_ =	sdelay $0x2  }
0x1c: {  	s14 =	sshra.s32 s13, $0x2;
	s13 =	sadd.s32 $0x40, s13;
	[tilespmem:v3+s9+$0x0] =	vst.idx.add.s32.msk $0xffff, v2  }
0x1d: {  	v3 =	vld [tilespmem:s14+$0x0];
	_ =	sdelay $0x4  }
0x1e: {  	v3 =	vadd.s32 v1, v3;
	_ =	sdelay $0x4  }
0x1f: {  	[tilespmem:v3+s9+$0x0] =	vst.idx.add.s32.msk $0xffff, v2  }
0x20: {  	v3 =	vld [tilespmem:$0x2000]  }
0x21: {  	v4 =	vld [tilespmem:$0x2040]  }
0x22: {  	v5 =	vld [tilespmem:$0x2080]  }
0x23: {  	v6 =	vld [tilespmem:$0x20C0]  }
0x24: {  	v7 =	vld [tilespmem:$0x2100]  }
0x25: {  	v8 =	vld [tilespmem:$0x2140]  }
0x26: {  	v9 =	vld [tilespmem:$0x2180]  }
0x27: {  	v10 =	vld [tilespmem:$0x21C0]  }
0x28: {  	v11 =	vld [tilespmem:$0x2200]  }
0x29: {  	v12 =	vld [tilespmem:$0x2240]  }
0x2a: {  	v13 =	vld [tilespmem:$0x2280]  }
0x2b: {  	v14 =	vld [tilespmem:$0x22C0]  }
0x2c: {  	v15 =	vld [tilespmem:$0x2300]  }
0x2d: {  	v16 =	vld [tilespmem:$0x2340]  }
0x2e: {  	v17 =	vld [tilespmem:$0x2380]  }
0x2f: {  	v18 =	vld [tilespmem:$0x23C0]  }
0x30: {  	v19 =	vld [tilespmem:$0x2010]  }
0x31: {  	v20 =	vld [tilespmem:$0x2050]  }
0x32: {  	v21 =	vld [tilespmem:$0x2090]  }
0x33: {  	v22 =	vld [tilespmem:$0x20D0]  }
0x34: {  	v23 =	vld [tilespmem:$0x2110]  }
0x35: {  	v24 =	vld [tilespmem:$0x2150]  }
0x36: {  	v25 =	vld [tilespmem:$0x2190]  }
0x37: {  	v26 =	vld [tilespmem:$0x21D0]  }
0x38: {  	v27 =	vld [tilespmem:$0x2210]  }
0x39: {  	v28 =	vld [tilespmem:$0x2250]  }
0x3a: {  	v29 =	vld [tilespmem:$0x2290]  }
0x3b: {  	v30 =	vld [tilespmem:$0x22D0]  }
0x3c: {  	v31 =	vld [tilespmem:$0x2310]  }
0x3d: {  	v32 =	vld [tilespmem:$0x2350]  }
0x3e: {  	v33 =	vld [tilespmem:$0x2390]  }
0x3f: {  	v34 =	vld [tilespmem:$0x23D0]  }
0x40: {  	v35 =	vld [tilespmem:$0x2020]  }
0x41: {  	v36 =	vld [tilespmem:$0x2060]  }
0x42: {  	v37 =	vld [tilespmem:$0x20A0]  }
0x43: {  	v38 =	vld [tilespmem:$0x20E0]  }
0x44: {  	v39 =	vld [tilespmem:$0x2120]  }
0x45: {  	v40 =	vld [tilespmem:$0x2160]  }
0x46: {  	v41 =	vld [tilespmem:$0x21A0]  }
0x47: {  	v57 =	vld [tilespmem:$0x21E0]  }
0x48: {  	v58 =	vld [tilespmem:$0x2220];
	v3 =	vadd.s32 v3, v4  }
0x49: {  	v59 =	vld [tilespmem:$0x2260];
	v3 =	vadd.s32 v5, v3  }
0x4a: {  	v60 =	vld [tilespmem:$0x22A0];
	v3 =	vadd.s32 v6, v3  }
0x4b: {  	v61 =	vld [tilespmem:$0x22E0];
	v3 =	vadd.s32 v7, v3  }
0x4c: {  	v62 =	vld [tilespmem:$0x2320];
	v3 =	vadd.s32 v8, v3  }
0x4d: {  	v63 =	vld [tilespmem:$0x23E0];
	v3 =	vadd.s32 v9, v3  }
0x4e: {  	v42 =	vld [tilespmem:$0x2030];
	v3 =	vadd.s32 v10, v3  }
0x4f: {  	v43 =	vld [tilespmem:$0x2070];
	v3 =	vadd.s32 v11, v3  }
0x50: {  	v44 =	vld [tilespmem:$0x20B0];
	v3 =	vadd.s32 v12, v3  }
0x51: {  	v45 =	vld [tilespmem:$0x20F0];
	v3 =	vadd.s32 v13, v3  }
0x52: {  	v47 =	vld [tilespmem:$0x2130];
	v3 =	vadd.s32 v14, v3  }
0x53: {  	v49 =	vld [tilespmem:$0x2170];
	v3 =	vadd.s32 v15, v3  }
0x54: {  	v50 =	vld [tilespmem:$0x21B0];
	v46 =	vadd.s32 v19, v20;
	v48 =	vadd.s32 v35, v36;
	v3 =	vadd.s32 v16, v3  }
0x55: {  	v51 =	vld [tilespmem:$0x21F0];
	v13 =	vadd.s32 v42, v43;
	v3 =	vadd.s32 v17, v3;
	v17 =	vadd.s32 v21, v46  }
0x56: {  	v52 =	vld [tilespmem:$0x2230];
	v3 =	vadd.s32 v18, v3;
	v17 =	vadd.s32 v22, v17;
	v18 =	vadd.s32 v37, v48  }
0x57: {  	v53 =	vld [tilespmem:$0x2270];
	v13 =	vadd.s32 v44, v13;
	v17 =	vadd.s32 v23, v17;
	v18 =	vadd.s32 v38, v18  }
0x58: {  	v54 =	vld [tilespmem:$0x22B0];
	v13 =	vadd.s32 v45, v13;
	v17 =	vadd.s32 v24, v17;
	v18 =	vadd.s32 v39, v18  }
0x59: {  	v55 =	vld [tilespmem:$0x22F0];
	v13 =	vadd.s32 v47, v13;
	v17 =	vadd.s32 v25, v17;
	v18 =	vadd.s32 v40, v18  }
0x5a: {  	v10 =	vld [tilespmem:$0x2360];
	v13 =	vadd.s32 v49, v13;
	v17 =	vadd.s32 v26, v17;
	v18 =	vadd.s32 v41, v18  }
0x5b: {  	v11 =	vld [tilespmem:$0x23A0];
	v13 =	vadd.s32 v50, v13;
	v17 =	vadd.s32 v27, v17;
	v4 =	vadd.s32 v57, v18  }
0x5c: {  	v56 =	vadd.s32 v51, v13;
	v57 =	vld [tilespmem:$0x2330];
	v17 =	vadd.s32 v28, v17;
	v4 =	vadd.s32 v58, v4  }
0x5d: {  	v5 =	vadd.s32 v52, v56;
	v58 =	vadd.s32 v29, v17;
	v4 =	vadd.s32 v59, v4;
	v59 =	vld [tilespmem:$0x2370]  }
0x5e: {  	v5 =	vadd.s32 v53, v5;
	v15 =	vadd.s32 v30, v58;
	v4 =	vadd.s32 v60, v4;
	v60 =	vld [tilespmem:$0x23B0]  }
0x5f: {  	v5 =	vadd.s32 v54, v5;
	v15 =	vadd.s32 v31, v15;
	v4 =	vadd.s32 v61, v4;
	v61 =	vld [tilespmem:$0x23F0]  }
0x60: {  	v5 =	vadd.s32 v55, v5;
	v15 =	vadd.s32 v32, v15;
	v4 =	vadd.s32 v62, v4  }
0x61: {  	v5 =	vadd.s32 v57, v5;
	v62 =	vadd.s32 v33, v15;
	v4 =	vadd.s32 v10, v4  }
0x62: {  	[tilespmem:$0x2400] =	vst v3;
	v3 =	vadd.s32 v34, v62;
	v4 =	vadd.s32 v11, v4;
	v5 =	vadd.s32 v59, v5  }
0x63: {  	s12 =	sadd.s32 $0x1, s12;
	[tilespmem:$0x2410] =	vst v3;
	v3 =	vadd.s32 v63, v4;
	v63 =	vadd.s32 v60, v5  }
0x64: {  	p0 =	sne.s32 s12, s5;
	[tilespmem:$0x2420] =	vst v3;
	v3 =	vadd.s32 v61, v63  }
.Ltmp2:
0x65: {  	[tilespmem:$0x2430] =	vst v3;
	(pc) =	sbr.rel @p0 .LBB2_1-.Ltmp2, $4  }
0x66: {  	[hbm4b:s4+s2] =	stream.linear.scatter [tilespmem:s10], [sflag:$0x2], $0x80, $0x38;
	[tilespmem:$0x2480] =	vst v63  }
0x67: {  	_ =	swait.ge [sflag:s11], $0x80  }
0x68: {  	[sflag:s11] =	ssyncset.done $0x0  }
0x69: {  	[sflag:s11] =	ssyncadd.s32 $0xFFFFFF80  }
0x6a: {  	_ =	sfence.sel $0x180000  }
0x6b: {  	[bflag:$0x0] =	sbarrier.arrive $0xFFFF  }
0x6c: {  	p0 =	sne.s32 s1, $0x0;
	_ =	strace $0x90000047  }
0x6d: {  	s0 =	sadd.s32 @!p0 $0x100000, s0;
	[bflag:$0x2] =	sbarrier.arrive $0xFFFF  }
0x6e: {  	[sflag:s0] =	ssyncadd.tile.s32 @!p0 $0x1;
	_ =	shalt  }
.Lfunc_end2:
_tile_overlayer_lowered:
.L_overlay_start_2:
0x6f: {  	(tag) =	ssettag $0x2  }
0x70: {  	s0 =	rddreg [dreg:$0x0];
	s2 =	stileid.u32  }
0x71: {  	s1 =	rddreg [dreg:$0x1];
	p0 =	sne.s32 s2, $0x0  }
0x72: {  	s3 =	rddreg [dreg:$0x2];
	[bflag:$0x3] =	sbarrier.arrive $0xFFFF;
	s2 =	simm.s32 @!p0 $0x1C02  }
0x73: {  	[timem:s3], [sflag:s2] =	dma.local @!p0 [hbm:s0], s1  }
0x74: {  	s0 =	simm.s32 @!p0 $0x2  }
0x75: {  	_ =	swait.ge @!p0 [sflag:s0], s1  }
0x76: {  	s1 =	ssub.s32 @!p0 $0x0, s1;
	[sflag:s0] =	ssyncset.done @!p0 $0x0  }
0x77: {  	[sflag:s0] =	ssyncadd.s32 @!p0 s1  }
0x78: {  	[bflag:$0x3] =	sbarrier.arrive $0xFFFF  }
0x79: {  	_ =	shalt  }

</sc_bundles>
